<compile_context>
chip_gen: v7x
topology: tpu7x:2x2x1
jax: 0.10.2.dev20260603
libtpu: 0.0.44.dev20260713+nightly
codegen_flags: <defaults>
</compile_context>

<pallas_src>
import functools

import jax
import jax.numpy as jnp
from jax import lax
from jax.experimental import pallas as pl
from jax.experimental.pallas import tpu as pltpu
from jax.experimental.pallas import tpu_sc as plsc

_CHUNK = 2048




def _vq_argmin_kernel(zs_ref, z2b_ref, et_ref, es_ref, idx_ref, dsum_ref):
    c = lax.dot_general(
        z2b_ref[...], et_ref[...],
        dimension_numbers=(((1,), (0,)), ((), ())),
        preferred_element_type=jnp.float32,
    )
    d2 = (zs_ref[...] - c) + es_ref[...]
    dist = jnp.sqrt(jnp.maximum(d2, 0.0))
    br, v = dist.shape
    w = _CHUNK if v % _CHUNK == 0 else v
    nch = v // w
    run_v = jnp.full((br, 1), jnp.inf, jnp.float32)
    run_i = jnp.zeros((br, 1), jnp.int32)
    gmin = jnp.full((br, 1), jnp.inf, jnp.float32)
    for k in range(nch):
        sub = lax.slice_in_dim(dist, k * w, (k + 1) * w, axis=1)
        m = jnp.min(sub, axis=1, keepdims=True)
        iota = lax.broadcasted_iota(jnp.int32, sub.shape, 1) + k * w
        i = jnp.min(jnp.where(sub == m, iota, v), axis=1, keepdims=True)
        keep = jnp.logical_or(run_v < m,
                              jnp.logical_and(run_v == m, run_i < i))
        run_i = jnp.where(keep, run_i, i)
        mv = m.astype(jnp.bfloat16).astype(jnp.float32)
        run_v = jnp.where(keep, run_v, mv)
        gmin = jnp.minimum(gmin, m)
    idx_ref[0, 0, :] = run_i[:, 0]
    gm = gmin[:, 0]
    dsum_ref[0, 0, 0] = jnp.sum(gm * gm)


def _vq_argmin(z2b, zs, et, es, block_rows):
    n, d = z2b.shape
    v = et.shape[1]
    nb = n // block_rows
    idx3, dsum = pl.pallas_call(
        _vq_argmin_kernel,
        grid=(nb,),
        in_specs=[
            pl.BlockSpec((block_rows, 1), lambda i: (i, 0)),
            pl.BlockSpec((block_rows, d), lambda i: (i, 0)),
            pl.BlockSpec((d, v), lambda i: (0, 0)),
            pl.BlockSpec((1, v), lambda i: (0, 0)),
        ],
        out_specs=[
            pl.BlockSpec((1, 1, block_rows), lambda i: (i, 0, 0)),
            pl.BlockSpec((1, 1, 1), lambda i: (i, 0, 0),
                         memory_space=pltpu.SMEM),
        ],
        out_shape=[
            jax.ShapeDtypeStruct((nb, 1, block_rows), jnp.int32),
            jax.ShapeDtypeStruct((nb, 1, 1), jnp.float32),
        ],
    )(zs, z2b, et, es)
    return idx3.reshape(n), dsum.reshape(nb)




def _sc_gather(table, idx):
    b = idx.shape[0]
    v, d = table.shape
    info = plsc.get_sparse_core_info()
    nw = info.num_cores * info.num_subcores
    b_per_w = b // nw
    ch = 128 if b_per_w % 128 == 0 else b_per_w
    nch = b_per_w // ch
    mesh = plsc.VectorSubcoreMesh(core_axis_name="c", subcore_axis_name="s")

    @functools.partial(
        pl.kernel,
        mesh=mesh,
        out_type=jax.ShapeDtypeStruct((b, d), jnp.float32),
        scratch_types=[
            pltpu.VMEM((nch, ch), jnp.int32),
            pltpu.VMEM((ch, d), jnp.float32),
            pltpu.SemaphoreType.DMA,
        ],
    )
    def k(table_hbm, idx_hbm, out_hbm, idx_v, rows_v, sem):
        wid = lax.axis_index("s") * info.num_cores + lax.axis_index("c")
        base = wid * b_per_w
        for c_i in range(nch):
            off = base + c_i * ch
            pltpu.sync_copy(idx_hbm.at[pl.ds(off, ch)], idx_v.at[c_i])
            pltpu.async_copy(table_hbm.at[idx_v.at[c_i]], rows_v, sem).wait()
            pltpu.sync_copy(rows_v, out_hbm.at[pl.ds(off, ch)])

    return k(table, idx)




def kernel(z, embedding):
    b, d = z.shape[0], z.shape[1]
    spatial = z.shape[2:]
    z_flat = z.reshape(b, d, -1).transpose(0, 2, 1).reshape(-1, d)
    zs = jnp.sum(z_flat ** 2, axis=1, keepdims=True)
    es = jnp.sum(embedding ** 2, axis=1)[None, :]
    z2b = (2.0 * z_flat).astype(jnp.bfloat16)

    indices_flat, dsum = _vq_argmin(z2b, zs, embedding.T, es, block_rows=256)
    dpad = (-d) % 128
    table = jnp.pad(embedding, ((0, 0), (0, dpad))) if dpad else embedding
    quantized_flat = _sc_gather(table, indices_flat)[:, :d]

    quantized = (quantized_flat.reshape(b, -1, d)
                 .transpose(0, 2, 1).reshape(b, d, *spatial))
    commit_loss = jnp.sum(dsum) / z.size
    quantized_st = z + lax.stop_gradient(quantized - z)
    indices = indices_flat.reshape(b, -1)
    return quantized_st, indices, commit_loss

# --- scband reference (transcript-rebuilt; emitter-appended) ---
"""Pipeline reference for scband-vector-quantizer-31129922961670 (READ-ONLY COPY).

The authoritative reference and input builder live on the scoring server;
editing this copy changes nothing except your own understanding.
"""

import jax, jax.numpy as jnp
import numpy as np


def setup_inputs(seed: int = 0) -> dict:
    key = jax.random.key(seed)
    k1, k2 = jax.random.split(key)
    z = jax.random.normal(k1, (8, 64, 32, 32), dtype=jnp.float32)
    codebook_size, codebook_dim = 8192, 64
    embedding = jax.random.uniform(
        k2, (codebook_size, codebook_dim), dtype=jnp.float32,
        minval=-1.0 / codebook_size, maxval=1.0 / codebook_size)
    return {"z": z, "embedding": embedding}


def reference(z, embedding):
    B, D = z.shape[0], z.shape[1]
    spatial = z.shape[2:]
    z_flat = z.reshape(B, D, -1).transpose(0, 2, 1).reshape(-1, D)
    # torch.cdist (euclidean) equivalent
    d2 = (jnp.sum(z_flat ** 2, axis=1, keepdims=True)
          - 2.0 * z_flat @ embedding.T
          + jnp.sum(embedding ** 2, axis=1)[None, :])
    distances = jnp.sqrt(jnp.maximum(d2, 0.0))
    indices = jnp.argmin(distances, axis=-1)
    quantized = jnp.take(embedding, indices, axis=0)
    quantized = quantized.reshape(B, -1, D).transpose(0, 2, 1).reshape(B, D, *spatial)
    indices = indices.reshape(B, -1)
    commit_loss = jnp.mean((z - jax.lax.stop_gradient(quantized)) ** 2)
    quantized_st = z + jax.lax.stop_gradient(quantized - z)
    return quantized_st, indices, commit_loss

if __name__ == "__main__":
    import jax
    _d = setup_inputs()
    print(jax.jit(kernel)(*tuple(_d.values())))

</pallas_src>

<mosaic_0001>
#map = affine_map<(d0, d1) -> (0, 0)>
#map1 = affine_map<(d0, d1) -> (0)>
module attributes {stable_mosaic.version = 14 : i64} {
  func.func @k(%arg0: i32, %arg1: i32, %arg2: memref<8192x128xf32, #tpu.memory_space<hbm>>, %arg3: memref<8192xi32, #tpu.memory_space<hbm>>, %arg4: memref<8192x128xf32, #tpu.memory_space<hbm>>, %arg5: memref<2x128xi32, #tpu.memory_space<vmem>>, %arg6: memref<128x128xf32, #tpu.memory_space<vmem>>, %arg7: memref<!tpu.dma_semaphore, #tpu.memory_space<semaphore_mem>>) attributes {dimension_semantics = [#tpu.dimension_semantics<core_parallel>, #tpu.dimension_semantics<subcore_parallel>], iteration_bounds = array<i64: 2, 16>, scalar_prefetch = 0 : i64, scratch_operands = 3 : i64, tpu.core_type = #tpu.core_type<sc_vector_subcore>, window_params = [{transform_indices = #map}, {transform_indices = #map1}, {transform_indices = #map}]} {
    %mul3A = arith.constant 2 : i32
    %mul3A_0 = arith.muli %arg1, %mul3A : i32
    %add3A = arith.addi %mul3A_0, %arg0 : i32
    %mul3A_1 = arith.constant 256 : i32
    %mul3A_2 = arith.muli %add3A, %mul3A_1 : i32
    %add3A_3 = arith.constant 0 : i32
    %add3A_4 = arith.addi %mul3A_2, %add3A_3 : i32
    %run_scoped3A = arith.constant 0 : i32
    "tpu.region"() ({
      %run_scoped3A_34 = tpu.sem_alloc : memref<!tpu.dma_semaphore, #tpu.memory_space<semaphore_mem>>
      %dma_start3A_35 = arith.constant 0 : i32
      %dma_start3A_36 = tpu.memref_slice %arg5[%run_scoped3A, %dma_start3A_35] : memref<2x128xi32, #tpu.memory_space<vmem>> -> memref<1x128xi32, #tpu.memory_space<vmem>>
      %dma_start3A_37 = tpu.memref_squeeze %dma_start3A_36 : memref<1x128xi32, #tpu.memory_space<vmem>> -> memref<128xi32, #tpu.memory_space<vmem>>
      %dma_start3A_38 = tpu.memref_slice %arg3[%add3A_4] : memref<8192xi32, #tpu.memory_space<hbm>> -> memref<128xi32, #tpu.memory_space<hbm>>
      %dma_start3A_39 = arith.constant 0 : i32
      %dma_start3A_40 = tpu.memref_slice %arg5[%run_scoped3A, %dma_start3A_39] : memref<2x128xi32, #tpu.memory_space<vmem>> -> memref<1x128xi32, #tpu.memory_space<vmem>>
      %dma_start3A_41 = tpu.memref_squeeze %dma_start3A_40 : memref<1x128xi32, #tpu.memory_space<vmem>> -> memref<128xi32, #tpu.memory_space<vmem>>
      %dma_start3A_42 = tpu.memref_slice %arg3[%add3A_4] : memref<8192xi32, #tpu.memory_space<hbm>> -> memref<128xi32, #tpu.memory_space<hbm>>
      tpu.enqueue_dma source(%dma_start3A_42 : memref<128xi32, #tpu.memory_space<hbm>>) target(%dma_start3A_41 : memref<128xi32, #tpu.memory_space<vmem>>) target_semaphore(%run_scoped3A_34 : memref<!tpu.dma_semaphore, #tpu.memory_space<semaphore_mem>>)
      %dma_wait3A_43 = arith.constant 0 : i32
      %dma_wait3A_44 = tpu.memref_slice %arg5[%run_scoped3A, %dma_wait3A_43] : memref<2x128xi32, #tpu.memory_space<vmem>> -> memref<1x128xi32, #tpu.memory_space<vmem>>
      %dma_wait3A_45 = tpu.memref_squeeze %dma_wait3A_44 : memref<1x128xi32, #tpu.memory_space<vmem>> -> memref<128xi32, #tpu.memory_space<vmem>>
      %dma_wait3A_46 = tpu.memref_slice %arg3[%add3A_4] : memref<8192xi32, #tpu.memory_space<hbm>> -> memref<128xi32, #tpu.memory_space<hbm>>
      %dma_wait3A_47 = arith.constant 0 : i32
      %dma_wait3A_48 = tpu.memref_slice %arg5[%run_scoped3A, %dma_wait3A_47] : memref<2x128xi32, #tpu.memory_space<vmem>> -> memref<1x128xi32, #tpu.memory_space<vmem>>
      %dma_wait3A_49 = tpu.memref_squeeze %dma_wait3A_48 : memref<1x128xi32, #tpu.memory_space<vmem>> -> memref<128xi32, #tpu.memory_space<vmem>>
      %dma_wait3A_50 = tpu.memref_slice %arg3[%add3A_4] : memref<8192xi32, #tpu.memory_space<hbm>> -> memref<128xi32, #tpu.memory_space<hbm>>
      tpu.wait_dma2 semaphore(%run_scoped3A_34 : memref<!tpu.dma_semaphore, #tpu.memory_space<semaphore_mem>>) src(%dma_wait3A_50 : memref<128xi32, #tpu.memory_space<hbm>>) dst(%dma_wait3A_49 : memref<128xi32, #tpu.memory_space<vmem>>)
      tpu.yield
    }) : () -> ()
    %dma_start3A = arith.constant 0 : i32
    %dma_start3A_5 = arith.constant 0 : i32
    %dma_start3A_6 = tpu.memref_slice %arg5[%dma_start3A, %dma_start3A_5] : memref<2x128xi32, #tpu.memory_space<vmem>> -> memref<1x128xi32, #tpu.memory_space<vmem>>
    %dma_start3A_7 = tpu.memref_squeeze %dma_start3A_6 : memref<1x128xi32, #tpu.memory_space<vmem>> -> memref<128xi32, #tpu.memory_space<vmem>>
    %dma_start3A_8 = arith.constant 0 : i32
    %dma_start3A_9 = arith.constant 0 : i32
    %dma_start3A_10 = tpu.memref_slice %arg2[%dma_start3A_8, %dma_start3A_9] : memref<8192x128xf32, #tpu.memory_space<hbm>> -> memref<8192x128xf32, #tpu.memory_space<hbm>>
    tpu.enqueue_indirect_dma source(%dma_start3A_10 : memref<8192x128xf32, #tpu.memory_space<hbm>>) target(%arg6 : memref<128x128xf32, #tpu.memory_space<vmem>>) offsets(%dma_start3A_7 : memref<128xi32, #tpu.memory_space<vmem>>) semaphore(%arg7 : memref<!tpu.dma_semaphore, #tpu.memory_space<semaphore_mem>>)
    %dma_wait3A = arith.constant 0 : i32
    %dma_wait3A_11 = arith.constant 0 : i32
    %dma_wait3A_12 = tpu.memref_slice %arg5[%dma_wait3A, %dma_wait3A_11] : memref<2x128xi32, #tpu.memory_space<vmem>> -> memref<1x128xi32, #tpu.memory_space<vmem>>
    %dma_wait3A_13 = tpu.memref_squeeze %dma_wait3A_12 : memref<1x128xi32, #tpu.memory_space<vmem>> -> memref<128xi32, #tpu.memory_space<vmem>>
    %dma_wait3A_14 = arith.constant 0 : i32
    %dma_wait3A_15 = arith.constant 0 : i32
    %dma_wait3A_16 = tpu.memref_slice %arg2[%dma_wait3A_14, %dma_wait3A_15] : memref<8192x128xf32, #tpu.memory_space<hbm>> -> memref<8192x128xf32, #tpu.memory_space<hbm>>
    tpu.wait_indirect_dma semaphore(%arg7 : memref<!tpu.dma_semaphore, #tpu.memory_space<semaphore_mem>>) src(%dma_wait3A_16 : memref<8192x128xf32, #tpu.memory_space<hbm>>) dst(%arg6 : memref<128x128xf32, #tpu.memory_space<vmem>>)
    "tpu.region"() ({
      %run_scoped3A_34 = tpu.sem_alloc : memref<!tpu.dma_semaphore, #tpu.memory_space<semaphore_mem>>
      %dma_start3A_35 = arith.constant 0 : i32
      %dma_start3A_36 = tpu.memref_slice %arg4[%add3A_4, %dma_start3A_35] : memref<8192x128xf32, #tpu.memory_space<hbm>> -> memref<128x128xf32, #tpu.memory_space<hbm>>
      %dma_start3A_37 = arith.constant 0 : i32
      %dma_start3A_38 = tpu.memref_slice %arg4[%add3A_4, %dma_start3A_37] : memref<8192x128xf32, #tpu.memory_space<hbm>> -> memref<128x128xf32, #tpu.memory_space<hbm>>
      tpu.enqueue_dma source(%arg6 : memref<128x128xf32, #tpu.memory_space<vmem>>) target(%dma_start3A_38 : memref<128x128xf32, #tpu.memory_space<hbm>>) target_semaphore(%run_scoped3A_34 : memref<!tpu.dma_semaphore, #tpu.memory_space<semaphore_mem>>)
      %dma_wait3A_39 = arith.constant 0 : i32
      %dma_wait3A_40 = tpu.memref_slice %arg4[%add3A_4, %dma_wait3A_39] : memref<8192x128xf32, #tpu.memory_space<hbm>> -> memref<128x128xf32, #tpu.memory_space<hbm>>
      %dma_wait3A_41 = arith.constant 0 : i32
      %dma_wait3A_42 = tpu.memref_slice %arg4[%add3A_4, %dma_wait3A_41] : memref<8192x128xf32, #tpu.memory_space<hbm>> -> memref<128x128xf32, #tpu.memory_space<hbm>>
      tpu.wait_dma2 semaphore(%run_scoped3A_34 : memref<!tpu.dma_semaphore, #tpu.memory_space<semaphore_mem>>) src(%arg6 : memref<128x128xf32, #tpu.memory_space<vmem>>) dst(%dma_wait3A_42 : memref<128x128xf32, #tpu.memory_space<hbm>>)
      tpu.yield
    }) : () -> ()
    %add3A_17 = arith.constant 128 : i32
    %add3A_18 = arith.addi %mul3A_2, %add3A_17 : i32
    %run_scoped3A_19 = arith.constant 1 : i32
    "tpu.region"() ({
      %run_scoped3A_34 = tpu.sem_alloc : memref<!tpu.dma_semaphore, #tpu.memory_space<semaphore_mem>>
      %dma_start3A_35 = arith.constant 0 : i32
      %dma_start3A_36 = tpu.memref_slice %arg5[%run_scoped3A_19, %dma_start3A_35] : memref<2x128xi32, #tpu.memory_space<vmem>> -> memref<1x128xi32, #tpu.memory_space<vmem>>
      %dma_start3A_37 = tpu.memref_squeeze %dma_start3A_36 : memref<1x128xi32, #tpu.memory_space<vmem>> -> memref<128xi32, #tpu.memory_space<vmem>>
      %dma_start3A_38 = tpu.memref_slice %arg3[%add3A_18] : memref<8192xi32, #tpu.memory_space<hbm>> -> memref<128xi32, #tpu.memory_space<hbm>>
      %dma_start3A_39 = arith.constant 0 : i32
      %dma_start3A_40 = tpu.memref_slice %arg5[%run_scoped3A_19, %dma_start3A_39] : memref<2x128xi32, #tpu.memory_space<vmem>> -> memref<1x128xi32, #tpu.memory_space<vmem>>
      %dma_start3A_41 = tpu.memref_squeeze %dma_start3A_40 : memref<1x128xi32, #tpu.memory_space<vmem>> -> memref<128xi32, #tpu.memory_space<vmem>>
      %dma_start3A_42 = tpu.memref_slice %arg3[%add3A_18] : memref<8192xi32, #tpu.memory_space<hbm>> -> memref<128xi32, #tpu.memory_space<hbm>>
      tpu.enqueue_dma source(%dma_start3A_42 : memref<128xi32, #tpu.memory_space<hbm>>) target(%dma_start3A_41 : memref<128xi32, #tpu.memory_space<vmem>>) target_semaphore(%run_scoped3A_34 : memref<!tpu.dma_semaphore, #tpu.memory_space<semaphore_mem>>)
      %dma_wait3A_43 = arith.constant 0 : i32
      %dma_wait3A_44 = tpu.memref_slice %arg5[%run_scoped3A_19, %dma_wait3A_43] : memref<2x128xi32, #tpu.memory_space<vmem>> -> memref<1x128xi32, #tpu.memory_space<vmem>>
      %dma_wait3A_45 = tpu.memref_squeeze %dma_wait3A_44 : memref<1x128xi32, #tpu.memory_space<vmem>> -> memref<128xi32, #tpu.memory_space<vmem>>
      %dma_wait3A_46 = tpu.memref_slice %arg3[%add3A_18] : memref<8192xi32, #tpu.memory_space<hbm>> -> memref<128xi32, #tpu.memory_space<hbm>>
      %dma_wait3A_47 = arith.constant 0 : i32
      %dma_wait3A_48 = tpu.memref_slice %arg5[%run_scoped3A_19, %dma_wait3A_47] : memref<2x128xi32, #tpu.memory_space<vmem>> -> memref<1x128xi32, #tpu.memory_space<vmem>>
      %dma_wait3A_49 = tpu.memref_squeeze %dma_wait3A_48 : memref<1x128xi32, #tpu.memory_space<vmem>> -> memref<128xi32, #tpu.memory_space<vmem>>
      %dma_wait3A_50 = tpu.memref_slice %arg3[%add3A_18] : memref<8192xi32, #tpu.memory_space<hbm>> -> memref<128xi32, #tpu.memory_space<hbm>>
      tpu.wait_dma2 semaphore(%run_scoped3A_34 : memref<!tpu.dma_semaphore, #tpu.memory_space<semaphore_mem>>) src(%dma_wait3A_50 : memref<128xi32, #tpu.memory_space<hbm>>) dst(%dma_wait3A_49 : memref<128xi32, #tpu.memory_space<vmem>>)
      tpu.yield
    }) : () -> ()
    %dma_start3A_20 = arith.constant 1 : i32
    %dma_start3A_21 = arith.constant 0 : i32
    %dma_start3A_22 = tpu.memref_slice %arg5[%dma_start3A_20, %dma_start3A_21] : memref<2x128xi32, #tpu.memory_space<vmem>> -> memref<1x128xi32, #tpu.memory_space<vmem>>
    %dma_start3A_23 = tpu.memref_squeeze %dma_start3A_22 : memref<1x128xi32, #tpu.memory_space<vmem>> -> memref<128xi32, #tpu.memory_space<vmem>>
    %dma_start3A_24 = arith.constant 0 : i32
    %dma_start3A_25 = arith.constant 0 : i32
    %dma_start3A_26 = tpu.memref_slice %arg2[%dma_start3A_24, %dma_start3A_25] : memref<8192x128xf32, #tpu.memory_space<hbm>> -> memref<8192x128xf32, #tpu.memory_space<hbm>>
    tpu.enqueue_indirect_dma source(%dma_start3A_26 : memref<8192x128xf32, #tpu.memory_space<hbm>>) target(%arg6 : memref<128x128xf32, #tpu.memory_space<vmem>>) offsets(%dma_start3A_23 : memref<128xi32, #tpu.memory_space<vmem>>) semaphore(%arg7 : memref<!tpu.dma_semaphore, #tpu.memory_space<semaphore_mem>>)
    %dma_wait3A_27 = arith.constant 1 : i32
    %dma_wait3A_28 = arith.constant 0 : i32
    %dma_wait3A_29 = tpu.memref_slice %arg5[%dma_wait3A_27, %dma_wait3A_28] : memref<2x128xi32, #tpu.memory_space<vmem>> -> memref<1x128xi32, #tpu.memory_space<vmem>>
    %dma_wait3A_30 = tpu.memref_squeeze %dma_wait3A_29 : memref<1x128xi32, #tpu.memory_space<vmem>> -> memref<128xi32, #tpu.memory_space<vmem>>
    %dma_wait3A_31 = arith.constant 0 : i32
    %dma_wait3A_32 = arith.constant 0 : i32
    %dma_wait3A_33 = tpu.memref_slice %arg2[%dma_wait3A_31, %dma_wait3A_32] : memref<8192x128xf32, #tpu.memory_space<hbm>> -> memref<8192x128xf32, #tpu.memory_space<hbm>>
    tpu.wait_indirect_dma semaphore(%arg7 : memref<!tpu.dma_semaphore, #tpu.memory_space<semaphore_mem>>) src(%dma_wait3A_33 : memref<8192x128xf32, #tpu.memory_space<hbm>>) dst(%arg6 : memref<128x128xf32, #tpu.memory_space<vmem>>)
    "tpu.region"() ({
      %run_scoped3A_34 = tpu.sem_alloc : memref<!tpu.dma_semaphore, #tpu.memory_space<semaphore_mem>>
      %dma_start3A_35 = arith.constant 0 : i32
      %dma_start3A_36 = tpu.memref_slice %arg4[%add3A_18, %dma_start3A_35] : memref<8192x128xf32, #tpu.memory_space<hbm>> -> memref<128x128xf32, #tpu.memory_space<hbm>>
      %dma_start3A_37 = arith.constant 0 : i32
      %dma_start3A_38 = tpu.memref_slice %arg4[%add3A_18, %dma_start3A_37] : memref<8192x128xf32, #tpu.memory_space<hbm>> -> memref<128x128xf32, #tpu.memory_space<hbm>>
      tpu.enqueue_dma source(%arg6 : memref<128x128xf32, #tpu.memory_space<vmem>>) target(%dma_start3A_38 : memref<128x128xf32, #tpu.memory_space<hbm>>) target_semaphore(%run_scoped3A_34 : memref<!tpu.dma_semaphore, #tpu.memory_space<semaphore_mem>>)
      %dma_wait3A_39 = arith.constant 0 : i32
      %dma_wait3A_40 = tpu.memref_slice %arg4[%add3A_18, %dma_wait3A_39] : memref<8192x128xf32, #tpu.memory_space<hbm>> -> memref<128x128xf32, #tpu.memory_space<hbm>>
      %dma_wait3A_41 = arith.constant 0 : i32
      %dma_wait3A_42 = tpu.memref_slice %arg4[%add3A_18, %dma_wait3A_41] : memref<8192x128xf32, #tpu.memory_space<hbm>> -> memref<128x128xf32, #tpu.memory_space<hbm>>
      tpu.wait_dma2 semaphore(%run_scoped3A_34 : memref<!tpu.dma_semaphore, #tpu.memory_space<semaphore_mem>>) src(%arg6 : memref<128x128xf32, #tpu.memory_space<vmem>>) dst(%dma_wait3A_42 : memref<128x128xf32, #tpu.memory_space<hbm>>)
      tpu.yield
    }) : () -> ()
    return
  }
}

module attributes {stable_mosaic.version = 14 : i64} {
  func.func @_vq_argmin_kernel(%arg0: i32, %arg1: memref<256x1xf32, #tpu.memory_space<vmem>>, %arg2: memref<256x64xbf16, #tpu.memory_space<vmem>>, %arg3: memref<64x8192xf32, #tpu.memory_space<vmem>>, %arg4: memref<1x8192xf32, #tpu.memory_space<vmem>>, %arg5: memref<1x1x256xi32, #tpu.memory_space<vmem>>, %arg6: memref<1x1x1xf32, #tpu.memory_space<smem>>) attributes {dimension_semantics = [#tpu.dimension_semantics<arbitrary>], iteration_bounds = array<i64: 32>, scalar_prefetch = 0 : i64, scratch_operands = 0 : i64, tpu.core_type = #tpu.core_type<tc>, window_params = [{transform_indices = @transform_0, window_bounds = array<i64: 256, 1>}, {transform_indices = @transform_1, window_bounds = array<i64: 256, 64>}, {pipeline_mode = #tpu.pipeline_mode<synchronous>, transform_indices = @transform_2, window_bounds = array<i64: 64, 8192>}, {pipeline_mode = #tpu.pipeline_mode<synchronous>, transform_indices = @transform_3, window_bounds = array<i64: 1, 8192>}, {transform_indices = @transform_4, window_bounds = array<i64: 1, 1, 256>}, {transform_indices = @transform_5, window_bounds = array<i64: 1, 1, 1>}]} {
    %get3A = arith.constant 0 : index
    %get3A_0 = arith.constant 0 : index
    %get3A_1 = vector.load %arg2[%get3A, %get3A_0] : memref<256x64xbf16, #tpu.memory_space<vmem>>, vector<256x64xbf16>
    %get3A_2 = arith.constant 0 : index
    %get3A_3 = arith.constant 0 : index
    %get3A_4 = vector.load %arg3[%get3A_2, %get3A_3] : memref<64x8192xf32, #tpu.memory_space<vmem>>, vector<64x8192xf32>
    %dot_general3A = arith.constant dense<0.000000e+00> : vector<256x8192xf32>
    %dot_general3A_5 = tpu.matmul %get3A_1, %get3A_4, %dot_general3A {dimension_numbers = #tpu.dot_dimension_numbers<[1], [0], [0], [1], [0, 0, 1, 1], [], []>, transpose_lhs_hint = false} : vector<256x64xbf16>, vector<64x8192xf32>, vector<256x8192xf32> -> vector<256x8192xf32>
    %get3A_6 = arith.constant 0 : index
    %get3A_7 = arith.constant 0 : index
    %get3A_8 = vector.load %arg1[%get3A_6, %get3A_7] : memref<256x1xf32, #tpu.memory_space<vmem>>, vector<256x1xf32>
    %sub3A = vector.broadcast %get3A_8 : vector<256x1xf32> to vector<256x8192xf32>
    %sub3A_9 = arith.subf %sub3A, %dot_general3A_5 : vector<256x8192xf32>
    %get3A_10 = arith.constant 0 : index
    %get3A_11 = arith.constant 0 : index
    %get3A_12 = vector.load %arg4[%get3A_10, %get3A_11] : memref<1x8192xf32, #tpu.memory_space<vmem>>, vector<1x8192xf32>
    %add3A = vector.broadcast %get3A_12 : vector<1x8192xf32> to vector<256x8192xf32>
    %add3A_13 = arith.addf %sub3A_9, %add3A : vector<256x8192xf32>
    %max3A = arith.constant 0.000000e+00 : f32
    %max3A_14 = vector.broadcast %max3A : f32 to vector<256x8192xf32>
    %max3A_15 = arith.maximumf %add3A_13, %max3A_14 : vector<256x8192xf32>
    %sqrt3A = math.sqrt %max3A_15 : vector<256x8192xf32>
    %broadcast_in_dim3A = arith.constant 0x7F800000 : f32
    %broadcast_in_dim3A_16 = vector.broadcast %broadcast_in_dim3A : f32 to vector<256x1xf32>
    %broadcast_in_dim3A_17 = arith.constant 0 : i32
    %broadcast_in_dim3A_18 = vector.broadcast %broadcast_in_dim3A_17 : i32 to vector<256x1xi32>
    %broadcast_in_dim3A_19 = arith.constant 0x7F800000 : f32
    %broadcast_in_dim3A_20 = vector.broadcast %broadcast_in_dim3A_19 : f32 to vector<256x1xf32>
    %slice3A = vector.extract_strided_slice %sqrt3A {offsets = [0, 0], sizes = [256, 2048], strides = [1, 1]} : vector<256x8192xf32> to vector<256x2048xf32>
    %reduce_min3A = arith.constant dense<0x7F800000> : vector<256xf32>
    %reduce_min3A_21 = vector.multi_reduction <minimumf>, %slice3A, %reduce_min3A [1] : vector<256x2048xf32> to vector<256xf32>
    %broadcast_in_dim3A_22 = vector.shape_cast %reduce_min3A_21 : vector<256xf32> to vector<256x1xf32>
    %iota3A = tpu.iota {dimensions = array<i32: 1>} : vector<256x2048xi32>
    %add3A_23 = arith.constant 0 : i32
    %add3A_24 = vector.broadcast %add3A_23 : i32 to vector<256x2048xi32>
    %add3A_25 = arith.addi %iota3A, %add3A_24 : vector<256x2048xi32>
    %eq3A = vector.broadcast %broadcast_in_dim3A_22 : vector<256x1xf32> to vector<256x2048xf32>
    %eq3A_26 = arith.cmpf oeq, %slice3A, %eq3A : vector<256x2048xf32>
    %jit3A = arith.constant 8192 : i32
    %broadcast_in_dim3A_27 = vector.broadcast %jit3A : i32 to vector<256x2048xi32>
    %select_n3A = arith.select %eq3A_26, %add3A_25, %broadcast_in_dim3A_27 : vector<256x2048xi1>, vector<256x2048xi32>
    %reduce_min3A_28 = arith.constant dense<2147483647> : vector<256xi32>
    %reduce_min3A_29 = vector.multi_reduction <minsi>, %select_n3A, %reduce_min3A_28 [1] : vector<256x2048xi32> to vector<256xi32>
    %broadcast_in_dim3A_30 = vector.shape_cast %reduce_min3A_29 : vector<256xi32> to vector<256x1xi32>
    %lt3A = arith.cmpf olt, %broadcast_in_dim3A_16, %broadcast_in_dim3A_22 : vector<256x1xf32>
    %eq3A_31 = arith.cmpf oeq, %broadcast_in_dim3A_16, %broadcast_in_dim3A_22 : vector<256x1xf32>
    %lt3A_32 = arith.cmpi slt, %broadcast_in_dim3A_18, %broadcast_in_dim3A_30 : vector<256x1xi32>
    %and3A = arith.andi %eq3A_31, %lt3A_32 : vector<256x1xi1>
    %or3A = arith.ori %lt3A, %and3A : vector<256x1xi1>
    %select_n3A_33 = arith.select %or3A, %broadcast_in_dim3A_18, %broadcast_in_dim3A_30 : vector<256x1xi1>, vector<256x1xi32>
    %convert_element_type3A = arith.truncf %broadcast_in_dim3A_22 : vector<256x1xf32> to vector<256x1xbf16>
    %convert_element_type3A_34 = arith.extf %convert_element_type3A : vector<256x1xbf16> to vector<256x1xf32>
    %select_n3A_35 = arith.select %or3A, %broadcast_in_dim3A_16, %convert_element_type3A_34 : vector<256x1xi1>, vector<256x1xf32>
    %min3A = arith.minimumf %broadcast_in_dim3A_20, %broadcast_in_dim3A_22 : vector<256x1xf32>
    %slice3A_36 = vector.extract_strided_slice %sqrt3A {offsets = [0, 2048], sizes = [256, 2048], strides = [1, 1]} : vector<256x8192xf32> to vector<256x2048xf32>
    %reduce_min3A_37 = arith.constant dense<0x7F800000> : vector<256xf32>
    %reduce_min3A_38 = vector.multi_reduction <minimumf>, %slice3A_36, %reduce_min3A_37 [1] : vector<256x2048xf32> to vector<256xf32>
    %broadcast_in_dim3A_39 = vector.shape_cast %reduce_min3A_38 : vector<256xf32> to vector<256x1xf32>
    %iota3A_40 = tpu.iota {dimensions = array<i32: 1>} : vector<256x2048xi32>
    %add3A_41 = arith.constant 2048 : i32
    %add3A_42 = vector.broadcast %add3A_41 : i32 to vector<256x2048xi32>
    %add3A_43 = arith.addi %iota3A_40, %add3A_42 : vector<256x2048xi32>
    %eq3A_44 = vector.broadcast %broadcast_in_dim3A_39 : vector<256x1xf32> to vector<256x2048xf32>
    %eq3A_45 = arith.cmpf oeq, %slice3A_36, %eq3A_44 : vector<256x2048xf32>
    %jit3A_46 = arith.constant 8192 : i32
    %broadcast_in_dim3A_47 = vector.broadcast %jit3A_46 : i32 to vector<256x2048xi32>
    %select_n3A_48 = arith.select %eq3A_45, %add3A_43, %broadcast_in_dim3A_47 : vector<256x2048xi1>, vector<256x2048xi32>
    %reduce_min3A_49 = arith.constant dense<2147483647> : vector<256xi32>
    %reduce_min3A_50 = vector.multi_reduction <minsi>, %select_n3A_48, %reduce_min3A_49 [1] : vector<256x2048xi32> to vector<256xi32>
    %broadcast_in_dim3A_51 = vector.shape_cast %reduce_min3A_50 : vector<256xi32> to vector<256x1xi32>
    %lt3A_52 = arith.cmpf olt, %select_n3A_35, %broadcast_in_dim3A_39 : vector<256x1xf32>
    %eq3A_53 = arith.cmpf oeq, %select_n3A_35, %broadcast_in_dim3A_39 : vector<256x1xf32>
    %lt3A_54 = arith.cmpi slt, %select_n3A_33, %broadcast_in_dim3A_51 : vector<256x1xi32>
    %and3A_55 = arith.andi %eq3A_53, %lt3A_54 : vector<256x1xi1>
    %or3A_56 = arith.ori %lt3A_52, %and3A_55 : vector<256x1xi1>
    %select_n3A_57 = arith.select %or3A_56, %select_n3A_33, %broadcast_in_dim3A_51 : vector<256x1xi1>, vector<256x1xi32>
    %convert_element_type3A_58 = arith.truncf %broadcast_in_dim3A_39 : vector<256x1xf32> to vector<256x1xbf16>
    %convert_element_type3A_59 = arith.extf %convert_element_type3A_58 : vector<256x1xbf16> to vector<256x1xf32>
    %select_n3A_60 = arith.select %or3A_56, %select_n3A_35, %convert_element_type3A_59 : vector<256x1xi1>, vector<256x1xf32>
    %min3A_61 = arith.minimumf %min3A, %broadcast_in_dim3A_39 : vector<256x1xf32>
    %slice3A_62 = vector.extract_strided_slice %sqrt3A {offsets = [0, 4096], sizes = [256, 2048], strides = [1, 1]} : vector<256x8192xf32> to vector<256x2048xf32>
    %reduce_min3A_63 = arith.constant dense<0x7F800000> : vector<256xf32>
    %reduce_min3A_64 = vector.multi_reduction <minimumf>, %slice3A_62, %reduce_min3A_63 [1] : vector<256x2048xf32> to vector<256xf32>
    %broadcast_in_dim3A_65 = vector.shape_cast %reduce_min3A_64 : vector<256xf32> to vector<256x1xf32>
    %iota3A_66 = tpu.iota {dimensions = array<i32: 1>} : vector<256x2048xi32>
    %add3A_67 = arith.constant 4096 : i32
    %add3A_68 = vector.broadcast %add3A_67 : i32 to vector<256x2048xi32>
    %add3A_69 = arith.addi %iota3A_66, %add3A_68 : vector<256x2048xi32>
    %eq3A_70 = vector.broadcast %broadcast_in_dim3A_65 : vector<256x1xf32> to vector<256x2048xf32>
    %eq3A_71 = arith.cmpf oeq, %slice3A_62, %eq3A_70 : vector<256x2048xf32>
    %jit3A_72 = arith.constant 8192 : i32
    %broadcast_in_dim3A_73 = vector.broadcast %jit3A_72 : i32 to vector<256x2048xi32>
    %select_n3A_74 = arith.select %eq3A_71, %add3A_69, %broadcast_in_dim3A_73 : vector<256x2048xi1>, vector<256x2048xi32>
    %reduce_min3A_75 = arith.constant dense<2147483647> : vector<256xi32>
    %reduce_min3A_76 = vector.multi_reduction <minsi>, %select_n3A_74, %reduce_min3A_75 [1] : vector<256x2048xi32> to vector<256xi32>
    %broadcast_in_dim3A_77 = vector.shape_cast %reduce_min3A_76 : vector<256xi32> to vector<256x1xi32>
    %lt3A_78 = arith.cmpf olt, %select_n3A_60, %broadcast_in_dim3A_65 : vector<256x1xf32>
    %eq3A_79 = arith.cmpf oeq, %select_n3A_60, %broadcast_in_dim3A_65 : vector<256x1xf32>
    %lt3A_80 = arith.cmpi slt, %select_n3A_57, %broadcast_in_dim3A_77 : vector<256x1xi32>
    %and3A_81 = arith.andi %eq3A_79, %lt3A_80 : vector<256x1xi1>
    %or3A_82 = arith.ori %lt3A_78, %and3A_81 : vector<256x1xi1>
    %select_n3A_83 = arith.select %or3A_82, %select_n3A_57, %broadcast_in_dim3A_77 : vector<256x1xi1>, vector<256x1xi32>
    %convert_element_type3A_84 = arith.truncf %broadcast_in_dim3A_65 : vector<256x1xf32> to vector<256x1xbf16>
    %convert_element_type3A_85 = arith.extf %convert_element_type3A_84 : vector<256x1xbf16> to vector<256x1xf32>
    %select_n3A_86 = arith.select %or3A_82, %select_n3A_60, %convert_element_type3A_85 : vector<256x1xi1>, vector<256x1xf32>
    %min3A_87 = arith.minimumf %min3A_61, %broadcast_in_dim3A_65 : vector<256x1xf32>
    %slice3A_88 = vector.extract_strided_slice %sqrt3A {offsets = [0, 6144], sizes = [256, 2048], strides = [1, 1]} : vector<256x8192xf32> to vector<256x2048xf32>
    %reduce_min3A_89 = arith.constant dense<0x7F800000> : vector<256xf32>
    %reduce_min3A_90 = vector.multi_reduction <minimumf>, %slice3A_88, %reduce_min3A_89 [1] : vector<256x2048xf32> to vector<256xf32>
    %broadcast_in_dim3A_91 = vector.shape_cast %reduce_min3A_90 : vector<256xf32> to vector<256x1xf32>
    %iota3A_92 = tpu.iota {dimensions = array<i32: 1>} : vector<256x2048xi32>
    %add3A_93 = arith.constant 6144 : i32
    %add3A_94 = vector.broadcast %add3A_93 : i32 to vector<256x2048xi32>
    %add3A_95 = arith.addi %iota3A_92, %add3A_94 : vector<256x2048xi32>
    %eq3A_96 = vector.broadcast %broadcast_in_dim3A_91 : vector<256x1xf32> to vector<256x2048xf32>
    %eq3A_97 = arith.cmpf oeq, %slice3A_88, %eq3A_96 : vector<256x2048xf32>
    %jit3A_98 = arith.constant 8192 : i32
    %broadcast_in_dim3A_99 = vector.broadcast %jit3A_98 : i32 to vector<256x2048xi32>
    %select_n3A_100 = arith.select %eq3A_97, %add3A_95, %broadcast_in_dim3A_99 : vector<256x2048xi1>, vector<256x2048xi32>
    %reduce_min3A_101 = arith.constant dense<2147483647> : vector<256xi32>
    %reduce_min3A_102 = vector.multi_reduction <minsi>, %select_n3A_100, %reduce_min3A_101 [1] : vector<256x2048xi32> to vector<256xi32>
    %broadcast_in_dim3A_103 = vector.shape_cast %reduce_min3A_102 : vector<256xi32> to vector<256x1xi32>
    %lt3A_104 = arith.cmpf olt, %select_n3A_86, %broadcast_in_dim3A_91 : vector<256x1xf32>
    %eq3A_105 = arith.cmpf oeq, %select_n3A_86, %broadcast_in_dim3A_91 : vector<256x1xf32>
    %lt3A_106 = arith.cmpi slt, %select_n3A_83, %broadcast_in_dim3A_103 : vector<256x1xi32>
    %and3A_107 = arith.andi %eq3A_105, %lt3A_106 : vector<256x1xi1>
    %or3A_108 = arith.ori %lt3A_104, %and3A_107 : vector<256x1xi1>
    %select_n3A_109 = arith.select %or3A_108, %select_n3A_83, %broadcast_in_dim3A_103 : vector<256x1xi1>, vector<256x1xi32>
    %min3A_110 = arith.minimumf %min3A_87, %broadcast_in_dim3A_91 : vector<256x1xf32>
    %squeeze3A = vector.shape_cast %select_n3A_109 : vector<256x1xi32> to vector<256xi32>
    %swap3A = arith.constant 0 : index
    %swap3A_111 = arith.constant 0 : index
    %swap3A_112 = arith.constant 0 : index
    %swap3A_113 = vector.load %arg5[%swap3A, %swap3A_111, %swap3A_112] : memref<1x1x256xi32, #tpu.memory_space<vmem>>, vector<1x1x256xi32>
    %swap3A_114 = vector.shape_cast %swap3A_113 : vector<1x1x256xi32> to vector<256xi32>
    %swap3A_115 = vector.shape_cast %squeeze3A : vector<256xi32> to vector<1x1x256xi32>
    tpu.vector_store %arg5[%swap3A, %swap3A_111, %swap3A_112], %swap3A_115 {strides = array<i32>} : memref<1x1x256xi32, #tpu.memory_space<vmem>>, vector<1x1x256xi32>,
    %squeeze3A_116 = vector.shape_cast %min3A_110 : vector<256x1xf32> to vector<256xf32>
    %mul3A = arith.mulf %squeeze3A_116, %squeeze3A_116 : vector<256xf32>
    %reduce_sum3A = vector.shape_cast %mul3A : vector<256xf32> to vector<1x256xf32>
    %reduce_sum3A_117 = arith.constant dense<0.000000e+00> : vector<1xf32>
    %reduce_sum3A_118 = vector.multi_reduction <add>, %reduce_sum3A, %reduce_sum3A_117 [1] : vector<1x256xf32> to vector<1xf32>
    %reduce_sum3A_119 = vector.shape_cast %reduce_sum3A_118 : vector<1xf32> to vector<1x1xf32>
    %reduce_sum3A_120 = vector.extract %reduce_sum3A_119[0, 0] : f32 from vector<1x1xf32>
    %swap3A_121 = arith.constant 0 : index
    %swap3A_122 = arith.constant 0 : index
    %swap3A_123 = arith.constant 0 : index
    %swap3A_124 = memref.load %arg6[%swap3A_121, %swap3A_122, %swap3A_123] : memref<1x1x1xf32, #tpu.memory_space<smem>>
    memref.store %reduce_sum3A_120, %arg6[%swap3A_121, %swap3A_122, %swap3A_123] : memref<1x1x1xf32, #tpu.memory_space<smem>>
    return
  }
  func.func @transform_0(%arg0: i32) -> (i32, i32) {
    %c0_i32 = arith.constant 0 : i32
    %c0_i32_0 = arith.constant 0 : i32
    return %arg0, %c0_i32 : i32, i32
  }
  func.func @transform_1(%arg0: i32) -> (i32, i32) {
    %c0_i32 = arith.constant 0 : i32
    %c0_i32_0 = arith.constant 0 : i32
    return %arg0, %c0_i32 : i32, i32
  }
  func.func @transform_2(%arg0: i32) -> (i32, i32) {
    %c0_i32 = arith.constant 0 : i32
    %c0_i32_0 = arith.constant 0 : i32
    %c0_i32_1 = arith.constant 0 : i32
    return %c0_i32, %c0_i32_0 : i32, i32
  }
  func.func @transform_3(%arg0: i32) -> (i32, i32) {
    %c0_i32 = arith.constant 0 : i32
    %c0_i32_0 = arith.constant 0 : i32
    %c0_i32_1 = arith.constant 0 : i32
    return %c0_i32, %c0_i32_0 : i32, i32
  }
  func.func @transform_4(%arg0: i32) -> (i32, i32, i32) {
    %c0_i32 = arith.constant 0 : i32
    %c0_i32_0 = arith.constant 0 : i32
    %c0_i32_1 = arith.constant 0 : i32
    return %arg0, %c0_i32, %c0_i32_0 : i32, i32, i32
  }
  func.func @transform_5(%arg0: i32) -> (i32, i32, i32) {
    %c0_i32 = arith.constant 0 : i32
    %c0_i32_0 = arith.constant 0 : i32
    %c0_i32_1 = arith.constant 0 : i32
    return %arg0, %c0_i32, %c0_i32_0 : i32, i32, i32
  }
}

</mosaic_0001>

<sc_bundles>
// kernel: kernel.4.cloned.1.call-start
scs
__scs_entry_jumppad:
0x0: {  	(pc) =	sbr.rel $0x88, $3  }
0x1: {  	(tag) =	ssettag $0x0;
	lr =	simm.s32 $0x1  }
0x2: {  	[smem:$0x3F9F] =	sst lr;
	_ =	strace $0xD0000000  }
0x3: {  	_ = 	snop  }
0x4: {  	_ = 	snop  }
0x5: {  	_ = 	snop  }
0x6: {  	_ = 	snop  }
0x7: {  	_ = 	snop  }
__scs_overlays_trampoline_lowered:
0x8: {  	[smem:$0x3FAE] =	sst s0  }
0x9: {  	[smem:$0x3FAF] =	sst s1  }
0xa: {  	[smem:$0x3FB0] =	sst s2  }
0xb: {  	[smem:$0x3FB1] =	sst s3  }
0xc: {  	[smem:$0x3FB2] =	sst s4  }
0xd: {  	[smem:$0x3FB3] =	sst s5  }
0xe: {  	[smem:$0x3FB4] =	sst s6  }
0xf: {  	[smem:$0x3FB5] =	sst s7  }
0x10: {  	[smem:$0x3FB6] =	sst s8  }
0x11: {  	[smem:$0x3FB7] =	sst s9;
	s0 =	simm.s32 @!p0 $0x0  }
0x12: {  	s1 =	sld [smem:$0x3F9D];
	s0 =	simm.s32 @p0 $0x1  }
0x13: {  	[smem:$0x3FB8] =	sst s0;
	s0 =	simm.s32 @!p1 $0x0  }
0x14: {  	s2 =	sld [smem:$0x3F9C];
	s0 =	simm.s32 @p1 $0x1  }
0x15: {  	[smem:$0x3FB9] =	sst s0;
	s0 =	simm.s32 @!p2 $0x0  }
0x16: {  	s3 =	sld [smem:$0x3FDB];
	s0 =	simm.s32 @p2 $0x1  }
0x17: {  	s4 =	simm.s32 $0x1BF5;
	[smem:$0x3FBB] =	sst s0  }
0x18: {  	s0 =	sld [smem:$0x3F9E];
	_ =	swait.ge [sflag:s4], $0x0  }
0x19: {  	s7 =	sld [smem:$0x3F9F]  }
0x1a: {  	s8 =	sadd.s32 $0xFFFFE003, lr  }
0x1b: {  	s9 =	sadd.s32 $0xFFFFFEF7, lr;
	s5 =	simm.s32 $0xFFFFFFFF;
	p2 =	slt.u32 s8, $0xFFFFF086  }
0x1c: {  	p1 =	slt.u32 s9, $0xF7A;
	s5 =	simm.s32 @!p2 $0x0  }
0x1d: {  	s5 =	simm.s32 @p1 $0x1;
	p0 =	seq.s32 s7, s2  }
0x1e: {  	s7 =	smul.u32 @!p0 $0xF7A, s2;
	p2 =	seq.s32 @!p0 s5, $0x0  }
0x1f: {  	s9 =	smul.u32 $0xF7A, s1;
	s8 =	simm.s32 @!p0 $0x1BF5;
	p2 =	por !p2, p0  }
0x20: {  	[sflag:s8] =	ssyncset.s32 @!p0 $0xFFFFF086;
	s6 =	sadd.s32 @!p0 s3, s7;
	s7 =	simm.s32 @!p0 $0x108  }
0x21: {  	s3 =	sadd.s32 s3, s9;
	s6 =	sadd.s32 @!p0 $0x88, s6;
	s7 =	simm.s32 @p2 $0x1082  }
0x22: {  	[simem:s7], [sflag:s8] =	dma.local @!p0 [hbm:s6], $0xF7A  }
0x23: {  	s9 =	sor.u32 $0xD0000000, s2;
	s6 =	simm.s32 $0x108;
	_ =	swait.ge @!p0 [sflag:s8], $0x0  }
0x24: {  	s3 =	sadd.s32 $0x88, s3;
	s6 =	simm.s32 @!p1 $0x1082;
	[sflag:s4] =	ssyncset.s32 $0xFFFFF086  }
0x25: {  	[simem:s6], [sflag:s4] =	dma.local [hbm:s3], $0xF7A  }
0x26: {  	[smem:$0x3F9F] =	sst s1;
	(tag) =	ssettag s2;
	_ =	strace s9  }
0x27: {  	s1 =	sld [smem:$0x3FAF]  }
0x28: {  	s2 =	sld [smem:$0x3FB0]  }
0x29: {  	s4 =	sld [smem:$0x3FB2]  }
0x2a: {  	p0 =	seq.s32 s5, $0x0;
	s5 =	sld [smem:$0x3FB3]  }
0x2b: {  	s6 =	sld [smem:$0x3FB4]  }
0x2c: {  	s7 =	sld [smem:$0x3FB5]  }
0x2d: {  	s3 =	simm.s32 $0x108;
	s8 =	sld [smem:$0x3FB6]  }
0x2e: {  	s3 =	simm.s32 @!p0 $0x1082;
	s9 =	sld [smem:$0x3FB7]  }
0x2f: {  	lr =	sadd.s32 s0, s3;
	s0 =	sld [smem:$0x3FAE]  }
0x30: {  	s3 =	sld [smem:$0x3FB1]  }
0x31: {  	[smem:$0x3FBA] =	sst s10  }
0x32: {  	s10 =	sld [smem:$0x3FB8];
	_ =	sdelay $0x3  }
0x33: {  	p0 =	seq.s32 s10, $0x1;
	s10 =	sld [smem:$0x3FBA];
	_ =	sdelay $0x3  }
0x34: {  	[smem:$0x3FBA] =	sst s10  }
0x35: {  	s10 =	sld [smem:$0x3FB9];
	_ =	sdelay $0x3  }
0x36: {  	p1 =	seq.s32 s10, $0x1;
	s10 =	sld [smem:$0x3FBA];
	_ =	sdelay $0x3  }
0x37: {  	[smem:$0x3FBA] =	sst s10  }
0x38: {  	s10 =	sld [smem:$0x3FBB]  }
0x39: {  	_ = 	snop;
	(pc) =	sbr.ind lr, $3  }
0x3a: {  	_ = 	snop  }
0x3b: {  	_ = 	snop  }
0x3c: {  	p2 =	seq.s32 s10, $0x1;
	s10 =	sld [smem:$0x3FBA]  }
0x3d: {  	_ =	shalt  }
0x3e: {  	_ =	shalt  }
0x3f: {  	_ =	shalt  }
0x40: {  	_ =	shalt  }
0x41: {  	_ =	shalt  }
0x42: {  	_ =	shalt  }
0x43: {  	_ =	shalt  }
0x44: {  	_ =	shalt  }
0x45: {  	_ =	shalt  }
0x46: {  	_ =	shalt  }
0x47: {  	_ =	shalt  }
0x48: {  	_ =	shalt  }
0x49: {  	_ =	shalt  }
0x4a: {  	_ =	shalt  }
0x4b: {  	_ =	shalt  }
0x4c: {  	_ =	shalt  }
0x4d: {  	_ =	shalt  }
0x4e: {  	_ =	shalt  }
0x4f: {  	_ =	shalt  }
0x50: {  	_ =	shalt  }
0x51: {  	_ =	shalt  }
0x52: {  	_ =	shalt  }
0x53: {  	_ =	shalt  }
0x54: {  	_ =	shalt  }
0x55: {  	_ =	shalt  }
0x56: {  	_ =	shalt  }
0x57: {  	_ =	shalt  }
0x58: {  	_ =	shalt  }
0x59: {  	_ =	shalt  }
0x5a: {  	_ =	shalt  }
0x5b: {  	_ =	shalt  }
0x5c: {  	_ =	shalt  }
0x5d: {  	_ =	shalt  }
0x5e: {  	_ =	shalt  }
0x5f: {  	_ =	shalt  }
0x60: {  	_ =	shalt  }
0x61: {  	_ =	shalt  }
0x62: {  	_ =	shalt  }
0x63: {  	_ =	shalt  }
0x64: {  	_ =	shalt  }
0x65: {  	_ =	shalt  }
0x66: {  	_ =	shalt  }
0x67: {  	_ =	shalt  }
0x68: {  	_ =	shalt  }
0x69: {  	_ =	shalt  }
0x6a: {  	_ =	shalt  }
0x6b: {  	_ =	shalt  }
0x6c: {  	_ =	shalt  }
0x6d: {  	_ =	shalt  }
0x6e: {  	_ =	shalt  }
0x6f: {  	_ =	shalt  }
0x70: {  	_ =	shalt  }
0x71: {  	_ =	shalt  }
0x72: {  	_ =	shalt  }
0x73: {  	_ =	shalt  }
0x74: {  	_ =	shalt  }
0x75: {  	_ =	shalt  }
0x76: {  	_ =	shalt  }
0x77: {  	_ =	shalt  }
0x78: {  	_ =	shalt  }
0x79: {  	_ =	shalt  }
0x7a: {  	_ =	shalt  }
0x7b: {  	_ =	shalt  }
0x7c: {  	_ =	shalt  }
0x7d: {  	_ =	shalt  }
0x7e: {  	_ =	shalt  }
0x7f: {  	_ =	shalt  }
0x80: {  	_ =	shalt  }
0x81: {  	_ =	shalt  }
0x82: {  	_ =	shalt  }
0x83: {  	_ =	shalt  }
0x84: {  	_ =	shalt  }
0x85: {  	_ =	shalt  }
0x86: {  	_ =	shalt  }
0x87: {  	_ =	shalt  }
.Lfunc_end0:
.L_simem_size_0:
called_computation_lowered:
.L_overlay_start_0:
0x88: {  	s2 =	sld [smem:$0x3FD9]  }
0x89: {  	s3 =	sld [smem:$0x3FFE];
	_ =	sdelay $0x1  }
0x8a: {  	s1 =	srdreg.scid  }
0x8b: {  	s0 =	sand.u32 $0x1, s1  }
0x8c: {  	s14 =	sshll.u32 s0, $0xA;
	s2 =	sadd.s32 s3, s2  }
0x8d: {  	s2 =	sadd.s32 s2, s14  }
0x8e: {  	[smem:$0x3FC6] =	sst s2  }
0x8f: {  	_ = 	snop  }
0x90: {  	s2 =	sld [smem:$0x3FD0];
	_ =	sdelay $0x2  }
0x91: {  	s15 =	simm.s32 $0xA;
	s4 =	simm.s32 $0x10  }
0x92: {  	[smem:s4], [sflag:s15] =	dma.local [hbm:s2], $0x1  }
0x93: {  	_ =	swait.eq [sflag:s15], $0x1  }
0x94: {  	[sflag:s15] =	ssyncset.done $0x0  }
0x95: {  	[sflag:s15] =	ssyncadd.s32 $0xFFFFFFFF  }
0x96: {  	s16 =	sld [smem:$0x10];
	(tm) =	ssettm $0x1  }
0x97: {  	s17 =	sld [smem:$0x3FFB];
	_ =	sdelay $0x3  }
0x98: {  	_ =	strace s17  }
0x99: {  	s3 =	sld [smem:$0x3FFC];
	_ =	sdelay $0x3  }
0x9a: {  	_ =	strace s3  }
0x9b: {  	s3 =	sld [smem:$0x3FFD];
	_ =	sdelay $0x3  }
0x9c: {  	_ =	strace s3  }
0x9d: {  	_ =	strace $0x8FFFFFFF  }
0x9e: {  	s18 =	sld [smem:$0x3FDB];
	_ =	sdelay $0x1  }
0x9f: {  	s19 =	simm.s32 $_scs_section_size  }
0xa0: {  	s5 =	simm.s32 $_size__tile_overlayer_lowered;
	s6 =	simm.s32 $_tile_overlayer_lowered  }
0xa1: {  	s22 =	simm.s32 $0x1BFF;
	s21 =	sshll.u32 s6, $0x1;
	s3 =	sadd.s32 s19, s18  }
0xa2: {  	s7 =	simm.s32 $0x0;
	s20 =	sshll.u32 s5, $0x1;
	s5 =	sadd.s32 s21, s3  }
0xa3: {  	[timem:s7], [sflag:s22] =	dma.local [hbm:s5], s20  }
0xa4: {  	_ =	swait.ge [sflag:s22], s20  }
0xa5: {  	s4 =	ssub.s32 $0x0, s20;
	[sflag:s22] =	ssyncset.done $0x0  }
0xa6: {  	[sflag:s22] =	ssyncadd.s32 s4;
	_ =	sdelay $0x1  }
0xa7: {  	s23 =	simm.s32 $0x1B8B  }
0xa8: {  	_ =	swait.ge [sflag:s23], $0x1  }
0xa9: {  	[sflag:s23] =	ssyncset.done $0x0  }
0xaa: {  	s25 =	simm.s32 $0x1B8E;
	s24 =	sld [smem:$0x3FFE];
	[sflag:s23] =	ssyncadd.s32 $0xFFFFFFFF  }
0xab: {  	s26 =	simm.s32 $execute0_lowered;
	[smem:$0x3FD2] =	sst s25  }
0xac: {  	s5 =	sshll.u32 s26, $0x1;
	_ =	strace $0x80000046;
	[dreg:$0x1] =	wrdreg $0xFFFFFFFF  }
0xad: {  	s28 =	simm.s32 $_size_execute0_lowered;
	s3 =	sadd.s32 s3, s5;
	[dreg:$0x0] =	wrdreg $0x0  }
0xae: {  	s5 =	sshll.u32 s28, $0x1;
	[dreg:$0x2] =	wrdreg s3  }
0xaf: {  	[dreg:$0x3] =	wrdreg s5  }
0xb0: {  	[dreg:$0x4] =	wrdreg $0xC0  }
0xb1: {  	_ =	task [dreg:s7], $0x5FFFF  }
0xb2: {  	[dreg:$0x1] =	wrdreg $0xFFFFFFFF  }
0xb3: {  	[dreg:$0x0] =	wrdreg $0x60  }
0xb4: {  	[dreg:$0x2] =	wrdreg s16  }
0xb5: {  	[dreg:$0x3] =	wrdreg s24  }
0xb6: {  	[dreg:$0x4] =	wrdreg $0x9  }
0xb7: {  	_ =	task.clear_ibuf [dreg:s7], $0x5FFFF;
	_ =	strace $0x90000046  }
0xb8: {  	s29 =	simm.s32 $0x9;
	_ =	strace $0x80000048  }
0xb9: {  	_ =	swait.ge [sflag:s29], $0x1  }
0xba: {  	[sflag:s29] =	ssyncadd.s32 $0xFFFFFFFF  }
0xbb: {  	_ =	strace $0x90000048  }
0xbc: {  	_ =	sfence  }
0xbd: {  	s30 =	sld [smem:$0x0];
	_ =	sdelay $0x2  }
0xbe: {  	s31 =	sshll.u32 s1, $0xD;
	s1 =	sshrl.u32 s1, $0x2  }
0xbf: {  	s3 =	sand.u32 $0x4000, s31;
	s1 =	sadd.s32 s1, s30  }
0xc0: {  	s0 =	sor.u32 s3, s0;
	s1 =	sshll.u32 s1, $0x11  }
0xc1: {  	s0 =	sor.u32 s1, s0  }
0xc2: {  	s0 =	sadd.s32 $0x8F2B, s0  }
0xc3: {  	[sflag:s0] =	ssyncadd.remote.s32 $0x1  }
0xc4: {  	_ =	sfence.sel $0xFFFF  }
0xc5: {  	[dreg:$0x0] =	wrdreg $0xFFFFFFFF;
	(pc) =	sbr.abs _section_cstart, $3  }
0xc6: {  	[dreg:$0x1] =	wrdreg $0xFFFFFFFF  }
0xc7: {  	_ =	task.clear_ibuf [dreg:s7], $0x2FFFF;
	_ =	strace $0x9FFFFFFF  }
0xc8: {  	(tm) =	ssettm $0x7FFFFFFF  }
0xc9: {  	_ =	shalt  }
tec
execute0_lowered:
.L_overlay_start_1:
0x0: {  	(tag) =	ssettag $0x1  }
0x1: {  	s1 =	srdreg.scid  }
0x2: {  	s2 =	rddreg [dreg:$0x0];
	s0 =	stileid.u32;
	s11 =	sand.u32 $0x1, s1  }
0x3: {  	s10 =	rddreg [dreg:$0x1];
	s4 =	sshll.u32 s0, $0x9;
	s5 =	sshll.u32 s11, $0x8  }
0x4: {  	s3 =	simm.s32 $0x0;
	s1 =	rddreg [dreg:$0x2];
	s12 =	sor.u32 s5, s4  }
0x5: {  	[smem:$0x7FF] =	sst s3;
	s4 =	sshrl.u32 s12, $0x3  }
0x6: {  	_ =	strace $0x80000047;
	s5 =	sadd.s32 s10, s4;
	s4 =	simm.s32 $0x2  }
0x7: {  	[tilespmem:s3], [sflag:$0x2] =	stream.linear.gather [hbm4b:s5+s3], $0x80, $0x38;
	[tilespmem:$0x4100] =	vst v63  }
0x8: {  	_ =	swait.ge [sflag:s4], $0x80  }
0x9: {  	s6 =	simm.s32 $0x80;
	[sflag:s4] =	ssyncset.done $0x0  }
0xa: {  	s7 =	simm.s32 $0x100;
	s8 =	simm.s32 $0x1;
	[sflag:s4] =	ssyncadd.s32 $0xFFFFFF80  }
0xb: {  	[tilespmem:s7], [sflag:$0x1] =	stream.indirect.gather [hbm4b:s2+s6], $0x80, s3, s6, $0xb8;
	[tilespmem:$0x4100] =	vst v63  }
0xc: {  	_ =	swait.ge [sflag:s8], $0x4000  }
0xd: {  	s13 =	sadd.s32 $0x400, s10;
	s9 =	sshll.u32 s12, $0x4;
	[sflag:s8] =	ssyncset.done $0x0  }
0xe: {  	s9 =	sadd.s32 s13, s9;
	[sflag:s8] =	ssyncadd.s32 $0xFFFFC000  }
0xf: {  	[hbm4b:s9+s3] =	stream.linear.scatter [tilespmem:s7], [sflag:$0x2], $0x4000, $0x38;
	[tilespmem:$0x4100] =	vst v63  }
0x10: {  	s12 =	sor.u32 $0x80, s12;
	_ =	swait.ge [sflag:s4], $0x4000  }
0x11: {  	s14 =	sshrl.u32 s12, $0x3;
	[sflag:s4] =	ssyncset.done $0x0  }
0x12: {  	s11 =	ssub.s32 $0x2, s11;
	s10 =	sadd.s32 s10, s14;
	[sflag:s4] =	ssyncadd.s32 $0xFFFFC000  }
0x13: {  	[tilespmem:s6], [sflag:$0x2] =	stream.linear.gather [hbm4b:s10+s3], $0x80, $0x38;
	[tilespmem:$0x4100] =	vst v63  }
0x14: {  	s29 =	sshrl.u32 s11, $0x1;
	_ =	swait.ge [sflag:s4], $0x80  }
0x15: {  	s14 =	ssub.s32 s11, s29;
	[sflag:s4] =	ssyncset.done $0x0  }
0x16: {  	s31 =	smax.u32 s14, $0x1;
	[sflag:s4] =	ssyncadd.s32 $0xFFFFFF80  }
0x17: {  	[tilespmem:s7], [sflag:$0x1] =	stream.indirect.gather [hbm4b:s2+s6], $0x80, s6, s6, $0xb8;
	[tilespmem:$0x4100] =	vst v63  }
0x18: {  	p0 =	sne.s32 s31, $0x1;
	_ =	swait.ge [sflag:s8], $0x4000  }
.Ltmp0:
0x19: {  	s30 =	sshll.u32 s12, $0x4;
	[sflag:s8] =	ssyncset.done $0x0;
	(pc) =	sbr.rel @!p0 .LBB2_2-.Ltmp0, $4  }
0x1a: {  	s11 =	sadd.s32 s13, s30;
	[sflag:s8] =	ssyncadd.s32 $0xFFFFC000  }
0x1b: {  	[hbm4b:s11+s3] =	stream.linear.scatter [tilespmem:s7], [sflag:$0x2], $0x4000, $0x38;
	[tilespmem:$0x4100] =	vst v63  }
0x1c: {  	_ =	swait.ge [sflag:s4], $0x4000  }
0x1d: {  	s12 =	sadd.s32 $0xFFFFFFFF, s31;
	[sflag:s4] =	ssyncset.done $0x0  }
.LBB2_1:
0x1e: {  	p0 =	sne.s32 s12, $0x1;
	s12 =	sadd.s32 $0xFFFFFFFF, s12;
	[sflag:s4] =	ssyncadd.s32 $0xFFFFC000  }
0x1f: {  	[tilespmem:s3], [sflag:$0x2] =	stream.linear.gather [hbm4b:s5+s3], $0x80, $0x38;
	[tilespmem:$0x4100] =	vst v63  }
0x20: {  	_ =	swait.ge [sflag:s4], $0x80  }
0x21: {  	[sflag:s4] =	ssyncset.done $0x0  }
0x22: {  	[sflag:s4] =	ssyncadd.s32 $0xFFFFFF80  }
0x23: {  	[tilespmem:s7], [sflag:$0x1] =	stream.indirect.gather [hbm4b:s2+s6], $0x80, s3, s6, $0xb8;
	[tilespmem:$0x4100] =	vst v63  }
0x24: {  	_ =	swait.ge [sflag:s8], $0x4000  }
0x25: {  	[sflag:s8] =	ssyncset.done $0x0  }
0x26: {  	[sflag:s8] =	ssyncadd.s32 $0xFFFFC000  }
0x27: {  	[hbm4b:s9+s3] =	stream.linear.scatter [tilespmem:s7], [sflag:$0x2], $0x4000, $0x38;
	[tilespmem:$0x4100] =	vst v63  }
0x28: {  	_ =	swait.ge [sflag:s4], $0x4000  }
0x29: {  	[sflag:s4] =	ssyncset.done $0x0  }
0x2a: {  	[sflag:s4] =	ssyncadd.s32 $0xFFFFC000  }
0x2b: {  	[tilespmem:s6], [sflag:$0x2] =	stream.linear.gather [hbm4b:s10+s3], $0x80, $0x38;
	[tilespmem:$0x4100] =	vst v63  }
0x2c: {  	_ =	swait.ge [sflag:s4], $0x80  }
0x2d: {  	[sflag:s4] =	ssyncset.done $0x0  }
0x2e: {  	[sflag:s4] =	ssyncadd.s32 $0xFFFFFF80  }
0x2f: {  	[tilespmem:s7], [sflag:$0x1] =	stream.indirect.gather [hbm4b:s2+s6], $0x80, s6, s6, $0xb8;
	[tilespmem:$0x4100] =	vst v63  }
0x30: {  	_ =	swait.ge [sflag:s8], $0x4000  }
.Ltmp1:
0x31: {  	[sflag:s8] =	ssyncset.done $0x0;
	(pc) =	sbr.rel @p0 .LBB2_1-.Ltmp1, $4  }
0x32: {  	[sflag:s8] =	ssyncadd.s32 $0xFFFFC000  }
0x33: {  	[hbm4b:s11+s3] =	stream.linear.scatter [tilespmem:s7], [sflag:$0x2], $0x4000, $0x38;
	[tilespmem:$0x4100] =	vst v63  }
0x34: {  	_ =	swait.ge [sflag:s4], $0x4000  }
0x35: {  	[sflag:s4] =	ssyncset.done $0x0  }
.LBB2_2:
0x36: {  	[sflag:s4] =	ssyncadd.s32 $0xFFFFC000  }
0x37: {  	_ =	sfence.sel $0x180000  }
0x38: {  	[bflag:$0x0] =	sbarrier.arrive $0xFFFF  }
0x39: {  	p0 =	sne.s32 s0, $0x0;
	_ =	strace $0x90000047  }
0x3a: {  	s0 =	sadd.s32 @!p0 $0x100000, s1;
	[bflag:$0x2] =	sbarrier.arrive $0xFFFF  }
0x3b: {  	[sflag:s0] =	ssyncadd.tile.s32 @!p0 $0x1;
	_ =	shalt  }
.Lfunc_end2:
_tile_overlayer_lowered:
.L_overlay_start_2:
0x3c: {  	(tag) =	ssettag $0x2  }
0x3d: {  	s0 =	rddreg [dreg:$0x0];
	s2 =	stileid.u32  }
0x3e: {  	s1 =	rddreg [dreg:$0x1];
	p0 =	sne.s32 s2, $0x0  }
0x3f: {  	s3 =	rddreg [dreg:$0x2];
	[bflag:$0x3] =	sbarrier.arrive $0xFFFF;
	s2 =	simm.s32 @!p0 $0x1C02  }
0x40: {  	[timem:s3], [sflag:s2] =	dma.local @!p0 [hbm:s0], s1  }
0x41: {  	s0 =	simm.s32 @!p0 $0x2  }
0x42: {  	_ =	swait.ge @!p0 [sflag:s0], s1  }
0x43: {  	s1 =	ssub.s32 @!p0 $0x0, s1;
	[sflag:s0] =	ssyncset.done @!p0 $0x0  }
0x44: {  	[sflag:s0] =	ssyncadd.s32 @!p0 s1  }
0x45: {  	[bflag:$0x3] =	sbarrier.arrive $0xFFFF  }
0x46: {  	_ =	shalt  }

</sc_bundles>
